<compile_context>
chip_gen: v7x
topology: tpu7x:2x2x1
jax: 0.10.2.dev20260603
libtpu: 0.0.44.dev20260713+nightly
codegen_flags: <defaults>
</compile_context>

<pallas_src>
import functools
import math

import jax
import jax.numpy as jnp
from jax import lax
from jax.experimental import pallas as pl
from jax.experimental.pallas import tpu as pltpu
from jax.experimental.pallas import tpu_sc as plsc

N_MATCHES = 16384
NC = 2
NS = 16
NW = NC * NS
B_PER_W = N_MATCHES // NW
CHUNK = 128
N_CHUNKS = B_PER_W // CHUNK
LANES = 16
_K = math.log(10.0) / 400.0

_mesh = plsc.VectorSubcoreMesh(core_axis_name="c", subcore_axis_name="s")


@functools.partial(
    pl.kernel,
    out_type=jax.ShapeDtypeStruct((N_MATCHES,), jnp.float32),
    mesh=_mesh,
    scratch_types=[
        pltpu.VMEM((N_CHUNKS, CHUNK), jnp.int32),
        pltpu.VMEM((N_CHUNKS, CHUNK), jnp.int32),
        pltpu.VMEM((B_PER_W,), jnp.float32),
        pltpu.VMEM((B_PER_W,), jnp.float32),
        pltpu.VMEM((B_PER_W,), jnp.float32),
        pltpu.SemaphoreType.DMA,
        pltpu.SemaphoreType.DMA,
    ],
)
def _elo_sc(matches_hbm, rating_hbm, out_hbm,
            hidx, aidx, hval, aval, res, sem, sem_i):
    wid = lax.axis_index("s") * NC + lax.axis_index("c")
    ci_h = pltpu.async_copy(matches_hbm.at[0, wid], hidx, sem_i)
    ci_a = pltpu.async_copy(matches_hbm.at[1, wid], aidx, sem_i)

    copies = []
    ci_h.wait()
    for c in range(N_CHUNKS):
        copies.append(pltpu.async_copy(
            rating_hbm.at[hidx.at[c]], hval.at[pl.ds(c * CHUNK, CHUNK)], sem))
    ci_a.wait()
    for c in range(N_CHUNKS):
        copies.append(pltpu.async_copy(
            rating_hbm.at[aidx.at[c]], aval.at[pl.ds(c * CHUNK, CHUNK)], sem))
    for cp in copies:
        cp.wait()

    @plsc.parallel_loop(0, B_PER_W, LANES, unroll=4)
    def body(i):
        h = hval[pl.ds(i, LANES)]
        a = aval[pl.ds(i, LANES)]
        res[pl.ds(i, LANES)] = 1.0 / (1.0 + jnp.exp((a - h) * _K))
    pltpu.sync_copy(res, out_hbm.at[pl.ds(wid * B_PER_W, B_PER_W)])


def kernel(matches, rating):
    return _elo_sc(matches.reshape(2, NW, N_CHUNKS, CHUNK), rating)

# --- scband reference (transcript-rebuilt; emitter-appended) ---
"""Pipeline reference for scband-elo-manual-34359738853 (READ-ONLY COPY).

The authoritative reference and input builder live on the scoring server;
editing this copy changes nothing except your own understanding.
"""

import jax, jax.numpy as jnp
import numpy as np

TEAM_COUNT = 1000000
N_MATCHES = 16384
DEFAULT = 1000.0
C = 10.0
D = 400.0


def setup_inputs(seed: int = 0) -> dict:
    key = jax.random.key(seed)
    matches = jax.random.randint(key, (2, N_MATCHES), 0, TEAM_COUNT)
    rating = jnp.zeros((TEAM_COUNT,), dtype=jnp.float32) + DEFAULT
    return {"matches": matches, "rating": rating}


def reference(matches, rating):
    # Faithful translation of EloManual.forward:
    #   home_rating = rating[home]; away_rating = rating[away]
    #   E_H = 1 / (1 + c ** ((away_rating - home_rating) / d))
    home = matches[0]
    away = matches[1]
    home_rating = jnp.take(rating, home, axis=0)
    away_rating = jnp.take(rating, away, axis=0)
    e_h = 1.0 / (1.0 + jnp.power(jnp.float32(C), (away_rating - home_rating) / jnp.float32(D)))
    return e_h

if __name__ == "__main__":
    import jax
    _d = setup_inputs()
    print(jax.jit(kernel)(*tuple(_d.values())))

</pallas_src>

<mosaic_0001>
#map = affine_map<(d0, d1) -> (0, 0, 0, 0)>
#map1 = affine_map<(d0, d1) -> (0)>
module attributes {stable_mosaic.version = 14 : i64} {
  func.func @_elo_sc(%arg0: i32, %arg1: i32, %arg2: memref<2x32x4x128xi32, #tpu.memory_space<hbm>>, %arg3: memref<1000000xf32, #tpu.memory_space<hbm>>, %arg4: memref<16384xf32, #tpu.memory_space<hbm>>, %arg5: memref<4x128xi32, #tpu.memory_space<vmem>>, %arg6: memref<4x128xi32, #tpu.memory_space<vmem>>, %arg7: memref<512xf32, #tpu.memory_space<vmem>>, %arg8: memref<512xf32, #tpu.memory_space<vmem>>, %arg9: memref<512xf32, #tpu.memory_space<vmem>>, %arg10: memref<!tpu.dma_semaphore, #tpu.memory_space<semaphore_mem>>, %arg11: memref<!tpu.dma_semaphore, #tpu.memory_space<semaphore_mem>>) attributes {dimension_semantics = [#tpu.dimension_semantics<core_parallel>, #tpu.dimension_semantics<subcore_parallel>], iteration_bounds = array<i64: 2, 16>, scalar_prefetch = 0 : i64, scratch_operands = 7 : i64, tpu.core_type = #tpu.core_type<sc_vector_subcore>, window_params = [{transform_indices = #map}, {transform_indices = #map1}, {transform_indices = #map1}]} {
    %mul3A = arith.constant 2 : i32
    %mul3A_0 = arith.muli %arg1, %mul3A : i32
    %add3A = arith.addi %mul3A_0, %arg0 : i32
    %dma_start3A = arith.constant 0 : i32
    %dma_start3A_1 = arith.constant 0 : i32
    %dma_start3A_2 = arith.constant 0 : i32
    %dma_start3A_3 = tpu.memref_slice %arg2[%dma_start3A, %add3A, %dma_start3A_1, %dma_start3A_2] : memref<2x32x4x128xi32, #tpu.memory_space<hbm>> -> memref<1x1x4x128xi32, #tpu.memory_space<hbm>>
    %dma_start3A_4 = tpu.memref_squeeze %dma_start3A_3 : memref<1x1x4x128xi32, #tpu.memory_space<hbm>> -> memref<4x128xi32, #tpu.memory_space<hbm>>
    %dma_start3A_5 = arith.constant 0 : i32
    %dma_start3A_6 = arith.constant 0 : i32
    %dma_start3A_7 = tpu.memref_slice %arg2[%dma_start3A, %add3A, %dma_start3A_5, %dma_start3A_6] : memref<2x32x4x128xi32, #tpu.memory_space<hbm>> -> memref<1x1x4x128xi32, #tpu.memory_space<hbm>>
    %dma_start3A_8 = tpu.memref_squeeze %dma_start3A_7 : memref<1x1x4x128xi32, #tpu.memory_space<hbm>> -> memref<4x128xi32, #tpu.memory_space<hbm>>
    tpu.enqueue_dma source(%dma_start3A_8 : memref<4x128xi32, #tpu.memory_space<hbm>>) target(%arg5 : memref<4x128xi32, #tpu.memory_space<vmem>>) target_semaphore(%arg11 : memref<!tpu.dma_semaphore, #tpu.memory_space<semaphore_mem>>)
    %dma_start3A_9 = arith.constant 1 : i32
    %dma_start3A_10 = arith.constant 0 : i32
    %dma_start3A_11 = arith.constant 0 : i32
    %dma_start3A_12 = tpu.memref_slice %arg2[%dma_start3A_9, %add3A, %dma_start3A_10, %dma_start3A_11] : memref<2x32x4x128xi32, #tpu.memory_space<hbm>> -> memref<1x1x4x128xi32, #tpu.memory_space<hbm>>
    %dma_start3A_13 = tpu.memref_squeeze %dma_start3A_12 : memref<1x1x4x128xi32, #tpu.memory_space<hbm>> -> memref<4x128xi32, #tpu.memory_space<hbm>>
    %dma_start3A_14 = arith.constant 0 : i32
    %dma_start3A_15 = arith.constant 0 : i32
    %dma_start3A_16 = tpu.memref_slice %arg2[%dma_start3A_9, %add3A, %dma_start3A_14, %dma_start3A_15] : memref<2x32x4x128xi32, #tpu.memory_space<hbm>> -> memref<1x1x4x128xi32, #tpu.memory_space<hbm>>
    %dma_start3A_17 = tpu.memref_squeeze %dma_start3A_16 : memref<1x1x4x128xi32, #tpu.memory_space<hbm>> -> memref<4x128xi32, #tpu.memory_space<hbm>>
    tpu.enqueue_dma source(%dma_start3A_17 : memref<4x128xi32, #tpu.memory_space<hbm>>) target(%arg6 : memref<4x128xi32, #tpu.memory_space<vmem>>) target_semaphore(%arg11 : memref<!tpu.dma_semaphore, #tpu.memory_space<semaphore_mem>>)
    %dma_wait3A = arith.constant 0 : i32
    %dma_wait3A_18 = arith.constant 0 : i32
    %dma_wait3A_19 = arith.constant 0 : i32
    %dma_wait3A_20 = tpu.memref_slice %arg2[%dma_wait3A, %add3A, %dma_wait3A_18, %dma_wait3A_19] : memref<2x32x4x128xi32, #tpu.memory_space<hbm>> -> memref<1x1x4x128xi32, #tpu.memory_space<hbm>>
    %dma_wait3A_21 = tpu.memref_squeeze %dma_wait3A_20 : memref<1x1x4x128xi32, #tpu.memory_space<hbm>> -> memref<4x128xi32, #tpu.memory_space<hbm>>
    %dma_wait3A_22 = arith.constant 0 : i32
    %dma_wait3A_23 = arith.constant 0 : i32
    %dma_wait3A_24 = tpu.memref_slice %arg2[%dma_wait3A, %add3A, %dma_wait3A_22, %dma_wait3A_23] : memref<2x32x4x128xi32, #tpu.memory_space<hbm>> -> memref<1x1x4x128xi32, #tpu.memory_space<hbm>>
    %dma_wait3A_25 = tpu.memref_squeeze %dma_wait3A_24 : memref<1x1x4x128xi32, #tpu.memory_space<hbm>> -> memref<4x128xi32, #tpu.memory_space<hbm>>
    tpu.wait_dma2 semaphore(%arg11 : memref<!tpu.dma_semaphore, #tpu.memory_space<semaphore_mem>>) src(%dma_wait3A_25 : memref<4x128xi32, #tpu.memory_space<hbm>>) dst(%arg5 : memref<4x128xi32, #tpu.memory_space<vmem>>)
    %dma_start3A_26 = arith.constant 0 : i32
    %dma_start3A_27 = arith.constant 0 : i32
    %dma_start3A_28 = tpu.memref_slice %arg7[%dma_start3A_27] : memref<512xf32, #tpu.memory_space<vmem>> -> memref<128xf32, #tpu.memory_space<vmem>>
    %dma_start3A_29 = arith.constant 0 : i32
    %dma_start3A_30 = tpu.memref_slice %arg5[%dma_start3A_26, %dma_start3A_29] : memref<4x128xi32, #tpu.memory_space<vmem>> -> memref<1x128xi32, #tpu.memory_space<vmem>>
    %dma_start3A_31 = tpu.memref_squeeze %dma_start3A_30 : memref<1x128xi32, #tpu.memory_space<vmem>> -> memref<128xi32, #tpu.memory_space<vmem>>
    %dma_start3A_32 = arith.constant 0 : i32
    %dma_start3A_33 = tpu.memref_slice %arg3[%dma_start3A_32] : memref<1000000xf32, #tpu.memory_space<hbm>> -> memref<1000000xf32, #tpu.memory_space<hbm>>
    tpu.enqueue_indirect_dma source(%dma_start3A_33 : memref<1000000xf32, #tpu.memory_space<hbm>>) target(%dma_start3A_28 : memref<128xf32, #tpu.memory_space<vmem>>) offsets(%dma_start3A_31 : memref<128xi32, #tpu.memory_space<vmem>>) semaphore(%arg10 : memref<!tpu.dma_semaphore, #tpu.memory_space<semaphore_mem>>)
    %dma_start3A_34 = arith.constant 1 : i32
    %dma_start3A_35 = arith.constant 128 : i32
    %dma_start3A_36 = tpu.memref_slice %arg7[%dma_start3A_35] : memref<512xf32, #tpu.memory_space<vmem>> -> memref<128xf32, #tpu.memory_space<vmem>>
    %dma_start3A_37 = arith.constant 0 : i32
    %dma_start3A_38 = tpu.memref_slice %arg5[%dma_start3A_34, %dma_start3A_37] : memref<4x128xi32, #tpu.memory_space<vmem>> -> memref<1x128xi32, #tpu.memory_space<vmem>>
    %dma_start3A_39 = tpu.memref_squeeze %dma_start3A_38 : memref<1x128xi32, #tpu.memory_space<vmem>> -> memref<128xi32, #tpu.memory_space<vmem>>
    %dma_start3A_40 = arith.constant 0 : i32
    %dma_start3A_41 = tpu.memref_slice %arg3[%dma_start3A_40] : memref<1000000xf32, #tpu.memory_space<hbm>> -> memref<1000000xf32, #tpu.memory_space<hbm>>
    tpu.enqueue_indirect_dma source(%dma_start3A_41 : memref<1000000xf32, #tpu.memory_space<hbm>>) target(%dma_start3A_36 : memref<128xf32, #tpu.memory_space<vmem>>) offsets(%dma_start3A_39 : memref<128xi32, #tpu.memory_space<vmem>>) semaphore(%arg10 : memref<!tpu.dma_semaphore, #tpu.memory_space<semaphore_mem>>)
    %dma_start3A_42 = arith.constant 2 : i32
    %dma_start3A_43 = arith.constant 256 : i32
    %dma_start3A_44 = tpu.memref_slice %arg7[%dma_start3A_43] : memref<512xf32, #tpu.memory_space<vmem>> -> memref<128xf32, #tpu.memory_space<vmem>>
    %dma_start3A_45 = arith.constant 0 : i32
    %dma_start3A_46 = tpu.memref_slice %arg5[%dma_start3A_42, %dma_start3A_45] : memref<4x128xi32, #tpu.memory_space<vmem>> -> memref<1x128xi32, #tpu.memory_space<vmem>>
    %dma_start3A_47 = tpu.memref_squeeze %dma_start3A_46 : memref<1x128xi32, #tpu.memory_space<vmem>> -> memref<128xi32, #tpu.memory_space<vmem>>
    %dma_start3A_48 = arith.constant 0 : i32
    %dma_start3A_49 = tpu.memref_slice %arg3[%dma_start3A_48] : memref<1000000xf32, #tpu.memory_space<hbm>> -> memref<1000000xf32, #tpu.memory_space<hbm>>
    tpu.enqueue_indirect_dma source(%dma_start3A_49 : memref<1000000xf32, #tpu.memory_space<hbm>>) target(%dma_start3A_44 : memref<128xf32, #tpu.memory_space<vmem>>) offsets(%dma_start3A_47 : memref<128xi32, #tpu.memory_space<vmem>>) semaphore(%arg10 : memref<!tpu.dma_semaphore, #tpu.memory_space<semaphore_mem>>)
    %dma_start3A_50 = arith.constant 3 : i32
    %dma_start3A_51 = arith.constant 384 : i32
    %dma_start3A_52 = tpu.memref_slice %arg7[%dma_start3A_51] : memref<512xf32, #tpu.memory_space<vmem>> -> memref<128xf32, #tpu.memory_space<vmem>>
    %dma_start3A_53 = arith.constant 0 : i32
    %dma_start3A_54 = tpu.memref_slice %arg5[%dma_start3A_50, %dma_start3A_53] : memref<4x128xi32, #tpu.memory_space<vmem>> -> memref<1x128xi32, #tpu.memory_space<vmem>>
    %dma_start3A_55 = tpu.memref_squeeze %dma_start3A_54 : memref<1x128xi32, #tpu.memory_space<vmem>> -> memref<128xi32, #tpu.memory_space<vmem>>
    %dma_start3A_56 = arith.constant 0 : i32
    %dma_start3A_57 = tpu.memref_slice %arg3[%dma_start3A_56] : memref<1000000xf32, #tpu.memory_space<hbm>> -> memref<1000000xf32, #tpu.memory_space<hbm>>
    tpu.enqueue_indirect_dma source(%dma_start3A_57 : memref<1000000xf32, #tpu.memory_space<hbm>>) target(%dma_start3A_52 : memref<128xf32, #tpu.memory_space<vmem>>) offsets(%dma_start3A_55 : memref<128xi32, #tpu.memory_space<vmem>>) semaphore(%arg10 : memref<!tpu.dma_semaphore, #tpu.memory_space<semaphore_mem>>)
    %dma_wait3A_58 = arith.constant 1 : i32
    %dma_wait3A_59 = arith.constant 0 : i32
    %dma_wait3A_60 = arith.constant 0 : i32
    %dma_wait3A_61 = tpu.memref_slice %arg2[%dma_wait3A_58, %add3A, %dma_wait3A_59, %dma_wait3A_60] : memref<2x32x4x128xi32, #tpu.memory_space<hbm>> -> memref<1x1x4x128xi32, #tpu.memory_space<hbm>>
    %dma_wait3A_62 = tpu.memref_squeeze %dma_wait3A_61 : memref<1x1x4x128xi32, #tpu.memory_space<hbm>> -> memref<4x128xi32, #tpu.memory_space<hbm>>
    %dma_wait3A_63 = arith.constant 0 : i32
    %dma_wait3A_64 = arith.constant 0 : i32
    %dma_wait3A_65 = tpu.memref_slice %arg2[%dma_wait3A_58, %add3A, %dma_wait3A_63, %dma_wait3A_64] : memref<2x32x4x128xi32, #tpu.memory_space<hbm>> -> memref<1x1x4x128xi32, #tpu.memory_space<hbm>>
    %dma_wait3A_66 = tpu.memref_squeeze %dma_wait3A_65 : memref<1x1x4x128xi32, #tpu.memory_space<hbm>> -> memref<4x128xi32, #tpu.memory_space<hbm>>
    tpu.wait_dma2 semaphore(%arg11 : memref<!tpu.dma_semaphore, #tpu.memory_space<semaphore_mem>>) src(%dma_wait3A_66 : memref<4x128xi32, #tpu.memory_space<hbm>>) dst(%arg6 : memref<4x128xi32, #tpu.memory_space<vmem>>)
    %dma_start3A_67 = arith.constant 0 : i32
    %dma_start3A_68 = arith.constant 0 : i32
    %dma_start3A_69 = tpu.memref_slice %arg8[%dma_start3A_68] : memref<512xf32, #tpu.memory_space<vmem>> -> memref<128xf32, #tpu.memory_space<vmem>>
    %dma_start3A_70 = arith.constant 0 : i32
    %dma_start3A_71 = tpu.memref_slice %arg6[%dma_start3A_67, %dma_start3A_70] : memref<4x128xi32, #tpu.memory_space<vmem>> -> memref<1x128xi32, #tpu.memory_space<vmem>>
    %dma_start3A_72 = tpu.memref_squeeze %dma_start3A_71 : memref<1x128xi32, #tpu.memory_space<vmem>> -> memref<128xi32, #tpu.memory_space<vmem>>
    %dma_start3A_73 = arith.constant 0 : i32
    %dma_start3A_74 = tpu.memref_slice %arg3[%dma_start3A_73] : memref<1000000xf32, #tpu.memory_space<hbm>> -> memref<1000000xf32, #tpu.memory_space<hbm>>
    tpu.enqueue_indirect_dma source(%dma_start3A_74 : memref<1000000xf32, #tpu.memory_space<hbm>>) target(%dma_start3A_69 : memref<128xf32, #tpu.memory_space<vmem>>) offsets(%dma_start3A_72 : memref<128xi32, #tpu.memory_space<vmem>>) semaphore(%arg10 : memref<!tpu.dma_semaphore, #tpu.memory_space<semaphore_mem>>)
    %dma_start3A_75 = arith.constant 1 : i32
    %dma_start3A_76 = arith.constant 128 : i32
    %dma_start3A_77 = tpu.memref_slice %arg8[%dma_start3A_76] : memref<512xf32, #tpu.memory_space<vmem>> -> memref<128xf32, #tpu.memory_space<vmem>>
    %dma_start3A_78 = arith.constant 0 : i32
    %dma_start3A_79 = tpu.memref_slice %arg6[%dma_start3A_75, %dma_start3A_78] : memref<4x128xi32, #tpu.memory_space<vmem>> -> memref<1x128xi32, #tpu.memory_space<vmem>>
    %dma_start3A_80 = tpu.memref_squeeze %dma_start3A_79 : memref<1x128xi32, #tpu.memory_space<vmem>> -> memref<128xi32, #tpu.memory_space<vmem>>
    %dma_start3A_81 = arith.constant 0 : i32
    %dma_start3A_82 = tpu.memref_slice %arg3[%dma_start3A_81] : memref<1000000xf32, #tpu.memory_space<hbm>> -> memref<1000000xf32, #tpu.memory_space<hbm>>
    tpu.enqueue_indirect_dma source(%dma_start3A_82 : memref<1000000xf32, #tpu.memory_space<hbm>>) target(%dma_start3A_77 : memref<128xf32, #tpu.memory_space<vmem>>) offsets(%dma_start3A_80 : memref<128xi32, #tpu.memory_space<vmem>>) semaphore(%arg10 : memref<!tpu.dma_semaphore, #tpu.memory_space<semaphore_mem>>)
    %dma_start3A_83 = arith.constant 2 : i32
    %dma_start3A_84 = arith.constant 256 : i32
    %dma_start3A_85 = tpu.memref_slice %arg8[%dma_start3A_84] : memref<512xf32, #tpu.memory_space<vmem>> -> memref<128xf32, #tpu.memory_space<vmem>>
    %dma_start3A_86 = arith.constant 0 : i32
    %dma_start3A_87 = tpu.memref_slice %arg6[%dma_start3A_83, %dma_start3A_86] : memref<4x128xi32, #tpu.memory_space<vmem>> -> memref<1x128xi32, #tpu.memory_space<vmem>>
    %dma_start3A_88 = tpu.memref_squeeze %dma_start3A_87 : memref<1x128xi32, #tpu.memory_space<vmem>> -> memref<128xi32, #tpu.memory_space<vmem>>
    %dma_start3A_89 = arith.constant 0 : i32
    %dma_start3A_90 = tpu.memref_slice %arg3[%dma_start3A_89] : memref<1000000xf32, #tpu.memory_space<hbm>> -> memref<1000000xf32, #tpu.memory_space<hbm>>
    tpu.enqueue_indirect_dma source(%dma_start3A_90 : memref<1000000xf32, #tpu.memory_space<hbm>>) target(%dma_start3A_85 : memref<128xf32, #tpu.memory_space<vmem>>) offsets(%dma_start3A_88 : memref<128xi32, #tpu.memory_space<vmem>>) semaphore(%arg10 : memref<!tpu.dma_semaphore, #tpu.memory_space<semaphore_mem>>)
    %dma_start3A_91 = arith.constant 3 : i32
    %dma_start3A_92 = arith.constant 384 : i32
    %dma_start3A_93 = tpu.memref_slice %arg8[%dma_start3A_92] : memref<512xf32, #tpu.memory_space<vmem>> -> memref<128xf32, #tpu.memory_space<vmem>>
    %dma_start3A_94 = arith.constant 0 : i32
    %dma_start3A_95 = tpu.memref_slice %arg6[%dma_start3A_91, %dma_start3A_94] : memref<4x128xi32, #tpu.memory_space<vmem>> -> memref<1x128xi32, #tpu.memory_space<vmem>>
    %dma_start3A_96 = tpu.memref_squeeze %dma_start3A_95 : memref<1x128xi32, #tpu.memory_space<vmem>> -> memref<128xi32, #tpu.memory_space<vmem>>
    %dma_start3A_97 = arith.constant 0 : i32
    %dma_start3A_98 = tpu.memref_slice %arg3[%dma_start3A_97] : memref<1000000xf32, #tpu.memory_space<hbm>> -> memref<1000000xf32, #tpu.memory_space<hbm>>
    tpu.enqueue_indirect_dma source(%dma_start3A_98 : memref<1000000xf32, #tpu.memory_space<hbm>>) target(%dma_start3A_93 : memref<128xf32, #tpu.memory_space<vmem>>) offsets(%dma_start3A_96 : memref<128xi32, #tpu.memory_space<vmem>>) semaphore(%arg10 : memref<!tpu.dma_semaphore, #tpu.memory_space<semaphore_mem>>)
    %dma_wait3A_99 = arith.constant 0 : i32
    %dma_wait3A_100 = arith.constant 0 : i32
    %dma_wait3A_101 = tpu.memref_slice %arg7[%dma_wait3A_100] : memref<512xf32, #tpu.memory_space<vmem>> -> memref<128xf32, #tpu.memory_space<vmem>>
    %dma_wait3A_102 = arith.constant 0 : i32
    %dma_wait3A_103 = tpu.memref_slice %arg5[%dma_wait3A_99, %dma_wait3A_102] : memref<4x128xi32, #tpu.memory_space<vmem>> -> memref<1x128xi32, #tpu.memory_space<vmem>>
    %dma_wait3A_104 = tpu.memref_squeeze %dma_wait3A_103 : memref<1x128xi32, #tpu.memory_space<vmem>> -> memref<128xi32, #tpu.memory_space<vmem>>
    %dma_wait3A_105 = arith.constant 0 : i32
    %dma_wait3A_106 = tpu.memref_slice %arg3[%dma_wait3A_105] : memref<1000000xf32, #tpu.memory_space<hbm>> -> memref<1000000xf32, #tpu.memory_space<hbm>>
    tpu.wait_indirect_dma semaphore(%arg10 : memref<!tpu.dma_semaphore, #tpu.memory_space<semaphore_mem>>) src(%dma_wait3A_106 : memref<1000000xf32, #tpu.memory_space<hbm>>) dst(%dma_wait3A_101 : memref<128xf32, #tpu.memory_space<vmem>>)
    %dma_wait3A_107 = arith.constant 1 : i32
    %dma_wait3A_108 = arith.constant 128 : i32
    %dma_wait3A_109 = tpu.memref_slice %arg7[%dma_wait3A_108] : memref<512xf32, #tpu.memory_space<vmem>> -> memref<128xf32, #tpu.memory_space<vmem>>
    %dma_wait3A_110 = arith.constant 0 : i32
    %dma_wait3A_111 = tpu.memref_slice %arg5[%dma_wait3A_107, %dma_wait3A_110] : memref<4x128xi32, #tpu.memory_space<vmem>> -> memref<1x128xi32, #tpu.memory_space<vmem>>
    %dma_wait3A_112 = tpu.memref_squeeze %dma_wait3A_111 : memref<1x128xi32, #tpu.memory_space<vmem>> -> memref<128xi32, #tpu.memory_space<vmem>>
    %dma_wait3A_113 = arith.constant 0 : i32
    %dma_wait3A_114 = tpu.memref_slice %arg3[%dma_wait3A_113] : memref<1000000xf32, #tpu.memory_space<hbm>> -> memref<1000000xf32, #tpu.memory_space<hbm>>
    tpu.wait_indirect_dma semaphore(%arg10 : memref<!tpu.dma_semaphore, #tpu.memory_space<semaphore_mem>>) src(%dma_wait3A_114 : memref<1000000xf32, #tpu.memory_space<hbm>>) dst(%dma_wait3A_109 : memref<128xf32, #tpu.memory_space<vmem>>)
    %dma_wait3A_115 = arith.constant 2 : i32
    %dma_wait3A_116 = arith.constant 256 : i32
    %dma_wait3A_117 = tpu.memref_slice %arg7[%dma_wait3A_116] : memref<512xf32, #tpu.memory_space<vmem>> -> memref<128xf32, #tpu.memory_space<vmem>>
    %dma_wait3A_118 = arith.constant 0 : i32
    %dma_wait3A_119 = tpu.memref_slice %arg5[%dma_wait3A_115, %dma_wait3A_118] : memref<4x128xi32, #tpu.memory_space<vmem>> -> memref<1x128xi32, #tpu.memory_space<vmem>>
    %dma_wait3A_120 = tpu.memref_squeeze %dma_wait3A_119 : memref<1x128xi32, #tpu.memory_space<vmem>> -> memref<128xi32, #tpu.memory_space<vmem>>
    %dma_wait3A_121 = arith.constant 0 : i32
    %dma_wait3A_122 = tpu.memref_slice %arg3[%dma_wait3A_121] : memref<1000000xf32, #tpu.memory_space<hbm>> -> memref<1000000xf32, #tpu.memory_space<hbm>>
    tpu.wait_indirect_dma semaphore(%arg10 : memref<!tpu.dma_semaphore, #tpu.memory_space<semaphore_mem>>) src(%dma_wait3A_122 : memref<1000000xf32, #tpu.memory_space<hbm>>) dst(%dma_wait3A_117 : memref<128xf32, #tpu.memory_space<vmem>>)
    %dma_wait3A_123 = arith.constant 3 : i32
    %dma_wait3A_124 = arith.constant 384 : i32
    %dma_wait3A_125 = tpu.memref_slice %arg7[%dma_wait3A_124] : memref<512xf32, #tpu.memory_space<vmem>> -> memref<128xf32, #tpu.memory_space<vmem>>
    %dma_wait3A_126 = arith.constant 0 : i32
    %dma_wait3A_127 = tpu.memref_slice %arg5[%dma_wait3A_123, %dma_wait3A_126] : memref<4x128xi32, #tpu.memory_space<vmem>> -> memref<1x128xi32, #tpu.memory_space<vmem>>
    %dma_wait3A_128 = tpu.memref_squeeze %dma_wait3A_127 : memref<1x128xi32, #tpu.memory_space<vmem>> -> memref<128xi32, #tpu.memory_space<vmem>>
    %dma_wait3A_129 = arith.constant 0 : i32
    %dma_wait3A_130 = tpu.memref_slice %arg3[%dma_wait3A_129] : memref<1000000xf32, #tpu.memory_space<hbm>> -> memref<1000000xf32, #tpu.memory_space<hbm>>
    tpu.wait_indirect_dma semaphore(%arg10 : memref<!tpu.dma_semaphore, #tpu.memory_space<semaphore_mem>>) src(%dma_wait3A_130 : memref<1000000xf32, #tpu.memory_space<hbm>>) dst(%dma_wait3A_125 : memref<128xf32, #tpu.memory_space<vmem>>)
    %dma_wait3A_131 = arith.constant 0 : i32
    %dma_wait3A_132 = arith.constant 0 : i32
    %dma_wait3A_133 = tpu.memref_slice %arg8[%dma_wait3A_132] : memref<512xf32, #tpu.memory_space<vmem>> -> memref<128xf32, #tpu.memory_space<vmem>>
    %dma_wait3A_134 = arith.constant 0 : i32
    %dma_wait3A_135 = tpu.memref_slice %arg6[%dma_wait3A_131, %dma_wait3A_134] : memref<4x128xi32, #tpu.memory_space<vmem>> -> memref<1x128xi32, #tpu.memory_space<vmem>>
    %dma_wait3A_136 = tpu.memref_squeeze %dma_wait3A_135 : memref<1x128xi32, #tpu.memory_space<vmem>> -> memref<128xi32, #tpu.memory_space<vmem>>
    %dma_wait3A_137 = arith.constant 0 : i32
    %dma_wait3A_138 = tpu.memref_slice %arg3[%dma_wait3A_137] : memref<1000000xf32, #tpu.memory_space<hbm>> -> memref<1000000xf32, #tpu.memory_space<hbm>>
    tpu.wait_indirect_dma semaphore(%arg10 : memref<!tpu.dma_semaphore, #tpu.memory_space<semaphore_mem>>) src(%dma_wait3A_138 : memref<1000000xf32, #tpu.memory_space<hbm>>) dst(%dma_wait3A_133 : memref<128xf32, #tpu.memory_space<vmem>>)
    %dma_wait3A_139 = arith.constant 1 : i32
    %dma_wait3A_140 = arith.constant 128 : i32
    %dma_wait3A_141 = tpu.memref_slice %arg8[%dma_wait3A_140] : memref<512xf32, #tpu.memory_space<vmem>> -> memref<128xf32, #tpu.memory_space<vmem>>
    %dma_wait3A_142 = arith.constant 0 : i32
    %dma_wait3A_143 = tpu.memref_slice %arg6[%dma_wait3A_139, %dma_wait3A_142] : memref<4x128xi32, #tpu.memory_space<vmem>> -> memref<1x128xi32, #tpu.memory_space<vmem>>
    %dma_wait3A_144 = tpu.memref_squeeze %dma_wait3A_143 : memref<1x128xi32, #tpu.memory_space<vmem>> -> memref<128xi32, #tpu.memory_space<vmem>>
    %dma_wait3A_145 = arith.constant 0 : i32
    %dma_wait3A_146 = tpu.memref_slice %arg3[%dma_wait3A_145] : memref<1000000xf32, #tpu.memory_space<hbm>> -> memref<1000000xf32, #tpu.memory_space<hbm>>
    tpu.wait_indirect_dma semaphore(%arg10 : memref<!tpu.dma_semaphore, #tpu.memory_space<semaphore_mem>>) src(%dma_wait3A_146 : memref<1000000xf32, #tpu.memory_space<hbm>>) dst(%dma_wait3A_141 : memref<128xf32, #tpu.memory_space<vmem>>)
    %dma_wait3A_147 = arith.constant 2 : i32
    %dma_wait3A_148 = arith.constant 256 : i32
    %dma_wait3A_149 = tpu.memref_slice %arg8[%dma_wait3A_148] : memref<512xf32, #tpu.memory_space<vmem>> -> memref<128xf32, #tpu.memory_space<vmem>>
    %dma_wait3A_150 = arith.constant 0 : i32
    %dma_wait3A_151 = tpu.memref_slice %arg6[%dma_wait3A_147, %dma_wait3A_150] : memref<4x128xi32, #tpu.memory_space<vmem>> -> memref<1x128xi32, #tpu.memory_space<vmem>>
    %dma_wait3A_152 = tpu.memref_squeeze %dma_wait3A_151 : memref<1x128xi32, #tpu.memory_space<vmem>> -> memref<128xi32, #tpu.memory_space<vmem>>
    %dma_wait3A_153 = arith.constant 0 : i32
    %dma_wait3A_154 = tpu.memref_slice %arg3[%dma_wait3A_153] : memref<1000000xf32, #tpu.memory_space<hbm>> -> memref<1000000xf32, #tpu.memory_space<hbm>>
    tpu.wait_indirect_dma semaphore(%arg10 : memref<!tpu.dma_semaphore, #tpu.memory_space<semaphore_mem>>) src(%dma_wait3A_154 : memref<1000000xf32, #tpu.memory_space<hbm>>) dst(%dma_wait3A_149 : memref<128xf32, #tpu.memory_space<vmem>>)
    %dma_wait3A_155 = arith.constant 3 : i32
    %dma_wait3A_156 = arith.constant 384 : i32
    %dma_wait3A_157 = tpu.memref_slice %arg8[%dma_wait3A_156] : memref<512xf32, #tpu.memory_space<vmem>> -> memref<128xf32, #tpu.memory_space<vmem>>
    %dma_wait3A_158 = arith.constant 0 : i32
    %dma_wait3A_159 = tpu.memref_slice %arg6[%dma_wait3A_155, %dma_wait3A_158] : memref<4x128xi32, #tpu.memory_space<vmem>> -> memref<1x128xi32, #tpu.memory_space<vmem>>
    %dma_wait3A_160 = tpu.memref_squeeze %dma_wait3A_159 : memref<1x128xi32, #tpu.memory_space<vmem>> -> memref<128xi32, #tpu.memory_space<vmem>>
    %dma_wait3A_161 = arith.constant 0 : i32
    %dma_wait3A_162 = tpu.memref_slice %arg3[%dma_wait3A_161] : memref<1000000xf32, #tpu.memory_space<hbm>> -> memref<1000000xf32, #tpu.memory_space<hbm>>
    tpu.wait_indirect_dma semaphore(%arg10 : memref<!tpu.dma_semaphore, #tpu.memory_space<semaphore_mem>>) src(%dma_wait3A_162 : memref<1000000xf32, #tpu.memory_space<hbm>>) dst(%dma_wait3A_157 : memref<128xf32, #tpu.memory_space<vmem>>)
    %parallel_loop3A = arith.constant 0 : i32
    %parallel_loop3A_163 = arith.constant 512 : i32
    %parallel_loop3A_164 = arith.constant 16 : i32
    scf.for %parallel_loop3A_167 = %parallel_loop3A to %parallel_loop3A_163 step %parallel_loop3A_164  : i32 {
      %parallel_loop3A_168 = arith.index_cast %parallel_loop3A_167 : i32 to index
      %parallel_loop3A_169 = tpu.vector_load %arg7[%parallel_loop3A_168] {strides = array<i32>} : memref<512xf32, #tpu.memory_space<vmem>>, vector<16xf32>,
      %parallel_loop3A_170 = vector.shape_cast %parallel_loop3A_169 : vector<16xf32> to vector<16xf32>
      %parallel_loop3A_171 = arith.index_cast %parallel_loop3A_167 : i32 to index
      %parallel_loop3A_172 = tpu.vector_load %arg8[%parallel_loop3A_171] {strides = array<i32>} : memref<512xf32, #tpu.memory_space<vmem>>, vector<16xf32>,
      %parallel_loop3A_173 = vector.shape_cast %parallel_loop3A_172 : vector<16xf32> to vector<16xf32>
      %parallel_loop3A_174 = arith.subf %parallel_loop3A_173, %parallel_loop3A_170 : vector<16xf32>
      %parallel_loop3A_175 = arith.constant 0.00575646292 : f32
      %parallel_loop3A_176 = vector.broadcast %parallel_loop3A_175 : f32 to vector<16xf32>
      %parallel_loop3A_177 = arith.mulf %parallel_loop3A_174, %parallel_loop3A_176 : vector<16xf32>
      %parallel_loop3A_178 = math.exp %parallel_loop3A_177 : vector<16xf32>
      %parallel_loop3A_179 = arith.constant 1.000000e+00 : f32
      %parallel_loop3A_180 = vector.broadcast %parallel_loop3A_179 : f32 to vector<16xf32>
      %parallel_loop3A_181 = arith.addf %parallel_loop3A_180, %parallel_loop3A_178 : vector<16xf32>
      %parallel_loop3A_182 = arith.constant 1.000000e+00 : f32
      %parallel_loop3A_183 = vector.broadcast %parallel_loop3A_182 : f32 to vector<16xf32>
      %parallel_loop3A_184 = arith.divf %parallel_loop3A_183, %parallel_loop3A_181 : vector<16xf32>
      %parallel_loop3A_185 = arith.index_cast %parallel_loop3A_167 : i32 to index
      %parallel_loop3A_186 = tpu.vector_load %arg9[%parallel_loop3A_185] {strides = array<i32>} : memref<512xf32, #tpu.memory_space<vmem>>, vector<16xf32>,
      %parallel_loop3A_187 = vector.shape_cast %parallel_loop3A_186 : vector<16xf32> to vector<16xf32>
      %parallel_loop3A_188 = vector.shape_cast %parallel_loop3A_184 : vector<16xf32> to vector<16xf32>
      tpu.vector_store %arg9[%parallel_loop3A_185], %parallel_loop3A_188 {strides = array<i32>} : memref<512xf32, #tpu.memory_space<vmem>>, vector<16xf32>,
    } {sc.loop_unroll_factor = 4 : i64, sc.parallel_access}
    %mul3A_165 = arith.constant 512 : i32
    %mul3A_166 = arith.muli %add3A, %mul3A_165 : i32
    "tpu.region"() ({
      %run_scoped3A = tpu.sem_alloc : memref<!tpu.dma_semaphore, #tpu.memory_space<semaphore_mem>>
      %dma_start3A_167 = tpu.memref_slice %arg4[%mul3A_166] : memref<16384xf32, #tpu.memory_space<hbm>> -> memref<512xf32, #tpu.memory_space<hbm>>
      %dma_start3A_168 = tpu.memref_slice %arg4[%mul3A_166] : memref<16384xf32, #tpu.memory_space<hbm>> -> memref<512xf32, #tpu.memory_space<hbm>>
      tpu.enqueue_dma source(%arg9 : memref<512xf32, #tpu.memory_space<vmem>>) target(%dma_start3A_168 : memref<512xf32, #tpu.memory_space<hbm>>) target_semaphore(%run_scoped3A : memref<!tpu.dma_semaphore, #tpu.memory_space<semaphore_mem>>)
      %dma_wait3A_169 = tpu.memref_slice %arg4[%mul3A_166] : memref<16384xf32, #tpu.memory_space<hbm>> -> memref<512xf32, #tpu.memory_space<hbm>>
      %dma_wait3A_170 = tpu.memref_slice %arg4[%mul3A_166] : memref<16384xf32, #tpu.memory_space<hbm>> -> memref<512xf32, #tpu.memory_space<hbm>>
      tpu.wait_dma2 semaphore(%run_scoped3A : memref<!tpu.dma_semaphore, #tpu.memory_space<semaphore_mem>>) src(%arg9 : memref<512xf32, #tpu.memory_space<vmem>>) dst(%dma_wait3A_170 : memref<512xf32, #tpu.memory_space<hbm>>)
      tpu.yield
    }) : () -> ()
    return
  }
}

</mosaic_0001>

<sc_bundles>
// kernel: kernel.3.cloned.1.call-start
scs
__scs_entry_jumppad:
0x0: {  	(pc) =	sbr.rel $0x88, $3  }
0x1: {  	(tag) =	ssettag $0x0;
	lr =	simm.s32 $0x1  }
0x2: {  	[smem:$0x3F9F] =	sst lr;
	_ =	strace $0xD0000000  }
0x3: {  	_ = 	snop  }
0x4: {  	_ = 	snop  }
0x5: {  	_ = 	snop  }
0x6: {  	_ = 	snop  }
0x7: {  	_ = 	snop  }
__scs_overlays_trampoline_lowered:
0x8: {  	[smem:$0x3FAE] =	sst s0  }
0x9: {  	[smem:$0x3FAF] =	sst s1  }
0xa: {  	[smem:$0x3FB0] =	sst s2  }
0xb: {  	[smem:$0x3FB1] =	sst s3  }
0xc: {  	[smem:$0x3FB2] =	sst s4  }
0xd: {  	[smem:$0x3FB3] =	sst s5  }
0xe: {  	[smem:$0x3FB4] =	sst s6  }
0xf: {  	[smem:$0x3FB5] =	sst s7  }
0x10: {  	[smem:$0x3FB6] =	sst s8  }
0x11: {  	[smem:$0x3FB7] =	sst s9;
	s0 =	simm.s32 @!p0 $0x0  }
0x12: {  	s1 =	sld [smem:$0x3F9D];
	s0 =	simm.s32 @p0 $0x1  }
0x13: {  	[smem:$0x3FB8] =	sst s0;
	s0 =	simm.s32 @!p1 $0x0  }
0x14: {  	s2 =	sld [smem:$0x3F9C];
	s0 =	simm.s32 @p1 $0x1  }
0x15: {  	[smem:$0x3FB9] =	sst s0;
	s0 =	simm.s32 @!p2 $0x0  }
0x16: {  	s3 =	sld [smem:$0x3FDB];
	s0 =	simm.s32 @p2 $0x1  }
0x17: {  	s4 =	simm.s32 $0x1BF5;
	[smem:$0x3FBB] =	sst s0  }
0x18: {  	s0 =	sld [smem:$0x3F9E];
	_ =	swait.ge [sflag:s4], $0x0  }
0x19: {  	s7 =	sld [smem:$0x3F9F]  }
0x1a: {  	s8 =	sadd.s32 $0xFFFFE003, lr  }
0x1b: {  	s9 =	sadd.s32 $0xFFFFFEF7, lr;
	s5 =	simm.s32 $0xFFFFFFFF;
	p2 =	slt.u32 s8, $0xFFFFF086  }
0x1c: {  	p1 =	slt.u32 s9, $0xF7A;
	s5 =	simm.s32 @!p2 $0x0  }
0x1d: {  	s5 =	simm.s32 @p1 $0x1;
	p0 =	seq.s32 s7, s2  }
0x1e: {  	s7 =	smul.u32 @!p0 $0xF7A, s2;
	p2 =	seq.s32 @!p0 s5, $0x0  }
0x1f: {  	s9 =	smul.u32 $0xF7A, s1;
	s8 =	simm.s32 @!p0 $0x1BF5;
	p2 =	por !p2, p0  }
0x20: {  	[sflag:s8] =	ssyncset.s32 @!p0 $0xFFFFF086;
	s6 =	sadd.s32 @!p0 s3, s7;
	s7 =	simm.s32 @!p0 $0x108  }
0x21: {  	s3 =	sadd.s32 s3, s9;
	s6 =	sadd.s32 @!p0 $0x88, s6;
	s7 =	simm.s32 @p2 $0x1082  }
0x22: {  	[simem:s7], [sflag:s8] =	dma.local @!p0 [hbm:s6], $0xF7A  }
0x23: {  	s9 =	sor.u32 $0xD0000000, s2;
	s6 =	simm.s32 $0x108;
	_ =	swait.ge @!p0 [sflag:s8], $0x0  }
0x24: {  	s3 =	sadd.s32 $0x88, s3;
	s6 =	simm.s32 @!p1 $0x1082;
	[sflag:s4] =	ssyncset.s32 $0xFFFFF086  }
0x25: {  	[simem:s6], [sflag:s4] =	dma.local [hbm:s3], $0xF7A  }
0x26: {  	[smem:$0x3F9F] =	sst s1;
	(tag) =	ssettag s2;
	_ =	strace s9  }
0x27: {  	s1 =	sld [smem:$0x3FAF]  }
0x28: {  	s2 =	sld [smem:$0x3FB0]  }
0x29: {  	s4 =	sld [smem:$0x3FB2]  }
0x2a: {  	p0 =	seq.s32 s5, $0x0;
	s5 =	sld [smem:$0x3FB3]  }
0x2b: {  	s6 =	sld [smem:$0x3FB4]  }
0x2c: {  	s7 =	sld [smem:$0x3FB5]  }
0x2d: {  	s3 =	simm.s32 $0x108;
	s8 =	sld [smem:$0x3FB6]  }
0x2e: {  	s3 =	simm.s32 @!p0 $0x1082;
	s9 =	sld [smem:$0x3FB7]  }
0x2f: {  	lr =	sadd.s32 s0, s3;
	s0 =	sld [smem:$0x3FAE]  }
0x30: {  	s3 =	sld [smem:$0x3FB1]  }
0x31: {  	[smem:$0x3FBA] =	sst s10  }
0x32: {  	s10 =	sld [smem:$0x3FB8];
	_ =	sdelay $0x3  }
0x33: {  	p0 =	seq.s32 s10, $0x1;
	s10 =	sld [smem:$0x3FBA];
	_ =	sdelay $0x3  }
0x34: {  	[smem:$0x3FBA] =	sst s10  }
0x35: {  	s10 =	sld [smem:$0x3FB9];
	_ =	sdelay $0x3  }
0x36: {  	p1 =	seq.s32 s10, $0x1;
	s10 =	sld [smem:$0x3FBA];
	_ =	sdelay $0x3  }
0x37: {  	[smem:$0x3FBA] =	sst s10  }
0x38: {  	s10 =	sld [smem:$0x3FBB]  }
0x39: {  	_ = 	snop;
	(pc) =	sbr.ind lr, $3  }
0x3a: {  	_ = 	snop  }
0x3b: {  	_ = 	snop  }
0x3c: {  	p2 =	seq.s32 s10, $0x1;
	s10 =	sld [smem:$0x3FBA]  }
0x3d: {  	_ =	shalt  }
0x3e: {  	_ =	shalt  }
0x3f: {  	_ =	shalt  }
0x40: {  	_ =	shalt  }
0x41: {  	_ =	shalt  }
0x42: {  	_ =	shalt  }
0x43: {  	_ =	shalt  }
0x44: {  	_ =	shalt  }
0x45: {  	_ =	shalt  }
0x46: {  	_ =	shalt  }
0x47: {  	_ =	shalt  }
0x48: {  	_ =	shalt  }
0x49: {  	_ =	shalt  }
0x4a: {  	_ =	shalt  }
0x4b: {  	_ =	shalt  }
0x4c: {  	_ =	shalt  }
0x4d: {  	_ =	shalt  }
0x4e: {  	_ =	shalt  }
0x4f: {  	_ =	shalt  }
0x50: {  	_ =	shalt  }
0x51: {  	_ =	shalt  }
0x52: {  	_ =	shalt  }
0x53: {  	_ =	shalt  }
0x54: {  	_ =	shalt  }
0x55: {  	_ =	shalt  }
0x56: {  	_ =	shalt  }
0x57: {  	_ =	shalt  }
0x58: {  	_ =	shalt  }
0x59: {  	_ =	shalt  }
0x5a: {  	_ =	shalt  }
0x5b: {  	_ =	shalt  }
0x5c: {  	_ =	shalt  }
0x5d: {  	_ =	shalt  }
0x5e: {  	_ =	shalt  }
0x5f: {  	_ =	shalt  }
0x60: {  	_ =	shalt  }
0x61: {  	_ =	shalt  }
0x62: {  	_ =	shalt  }
0x63: {  	_ =	shalt  }
0x64: {  	_ =	shalt  }
0x65: {  	_ =	shalt  }
0x66: {  	_ =	shalt  }
0x67: {  	_ =	shalt  }
0x68: {  	_ =	shalt  }
0x69: {  	_ =	shalt  }
0x6a: {  	_ =	shalt  }
0x6b: {  	_ =	shalt  }
0x6c: {  	_ =	shalt  }
0x6d: {  	_ =	shalt  }
0x6e: {  	_ =	shalt  }
0x6f: {  	_ =	shalt  }
0x70: {  	_ =	shalt  }
0x71: {  	_ =	shalt  }
0x72: {  	_ =	shalt  }
0x73: {  	_ =	shalt  }
0x74: {  	_ =	shalt  }
0x75: {  	_ =	shalt  }
0x76: {  	_ =	shalt  }
0x77: {  	_ =	shalt  }
0x78: {  	_ =	shalt  }
0x79: {  	_ =	shalt  }
0x7a: {  	_ =	shalt  }
0x7b: {  	_ =	shalt  }
0x7c: {  	_ =	shalt  }
0x7d: {  	_ =	shalt  }
0x7e: {  	_ =	shalt  }
0x7f: {  	_ =	shalt  }
0x80: {  	_ =	shalt  }
0x81: {  	_ =	shalt  }
0x82: {  	_ =	shalt  }
0x83: {  	_ =	shalt  }
0x84: {  	_ =	shalt  }
0x85: {  	_ =	shalt  }
0x86: {  	_ =	shalt  }
0x87: {  	_ =	shalt  }
.Lfunc_end0:
.L_simem_size_0:
called_computation_lowered:
.L_overlay_start_0:
0x88: {  	s2 =	sld [smem:$0x3FD9]  }
0x89: {  	s3 =	sld [smem:$0x3FFE];
	_ =	sdelay $0x1  }
0x8a: {  	s1 =	srdreg.scid  }
0x8b: {  	s0 =	sand.u32 $0x1, s1  }
0x8c: {  	s17 =	sshll.u32 s0, $0xA;
	s2 =	sadd.s32 s3, s2  }
0x8d: {  	s2 =	sadd.s32 s2, s17  }
0x8e: {  	[smem:$0x3FC6] =	sst s2  }
0x8f: {  	_ = 	snop  }
0x90: {  	s2 =	sld [smem:$0x3FC8]  }
0x91: {  	s18 =	sld [smem:$0x3FD0];
	(tm) =	ssettm $0x1  }
0x92: {  	s4 =	sld [smem:$0x3FFB];
	_ =	sdelay $0x3  }
0x93: {  	_ =	strace s4  }
0x94: {  	s4 =	sld [smem:$0x3FFC];
	_ =	sdelay $0x3  }
0x95: {  	_ =	strace s4  }
0x96: {  	s4 =	sld [smem:$0x3FFD];
	_ =	sdelay $0x3  }
0x97: {  	_ =	strace s4  }
0x98: {  	_ =	strace $0x8FFFFFFF  }
0x99: {  	s19 =	sld [smem:$0x3FDB];
	_ =	sdelay $0x1  }
0x9a: {  	s5 =	simm.s32 $_scs_section_size  }
0x9b: {  	s6 =	simm.s32 $_size__tile_overlayer_lowered;
	s7 =	simm.s32 $_tile_overlayer_lowered  }
0x9c: {  	s22 =	simm.s32 $0x1BFF;
	s21 =	sshll.u32 s7, $0x1;
	s4 =	sadd.s32 s5, s19  }
0x9d: {  	s8 =	simm.s32 $0x0;
	s20 =	sshll.u32 s6, $0x1;
	s6 =	sadd.s32 s21, s4  }
0x9e: {  	[timem:s8], [sflag:s22] =	dma.local [hbm:s6], s20  }
0x9f: {  	_ =	swait.ge [sflag:s22], s20  }
0xa0: {  	s5 =	ssub.s32 $0x0, s20;
	[sflag:s22] =	ssyncset.done $0x0  }
0xa1: {  	[sflag:s22] =	ssyncadd.s32 s5;
	_ =	sdelay $0x1  }
0xa2: {  	s23 =	simm.s32 $0x1B8B  }
0xa3: {  	_ =	swait.ge [sflag:s23], $0x1  }
0xa4: {  	[sflag:s23] =	ssyncset.done $0x0  }
0xa5: {  	s25 =	simm.s32 $0x1B8E;
	s24 =	sld [smem:$0x3FFE];
	[sflag:s23] =	ssyncadd.s32 $0xFFFFFFFF  }
0xa6: {  	s26 =	simm.s32 $execute0_lowered;
	[smem:$0x3FD2] =	sst s25  }
0xa7: {  	s6 =	sshll.u32 s26, $0x1;
	_ =	strace $0x80000046;
	[dreg:$0x1] =	wrdreg $0xFFFFFFFF  }
0xa8: {  	s28 =	simm.s32 $_size_execute0_lowered;
	s4 =	sadd.s32 s4, s6;
	[dreg:$0x0] =	wrdreg $0x0  }
0xa9: {  	s6 =	sshll.u32 s28, $0x1;
	[dreg:$0x2] =	wrdreg s4  }
0xaa: {  	[dreg:$0x3] =	wrdreg s6  }
0xab: {  	[dreg:$0x4] =	wrdreg $0xC0  }
0xac: {  	_ =	task [dreg:s8], $0x5FFFF  }
0xad: {  	[dreg:$0x1] =	wrdreg $0xFFFFFFFF  }
0xae: {  	[dreg:$0x0] =	wrdreg $0x60  }
0xaf: {  	[dreg:$0x2] =	wrdreg s24  }
0xb0: {  	[dreg:$0x3] =	wrdreg s2  }
0xb1: {  	[dreg:$0x4] =	wrdreg s18  }
0xb2: {  	[dreg:$0x5] =	wrdreg $0x9  }
0xb3: {  	_ =	task.clear_ibuf [dreg:s8], $0x6FFFF;
	_ =	strace $0x90000046  }
0xb4: {  	s29 =	simm.s32 $0x9;
	_ =	strace $0x80000048  }
0xb5: {  	_ =	swait.ge [sflag:s29], $0x1  }
0xb6: {  	[sflag:s29] =	ssyncadd.s32 $0xFFFFFFFF  }
0xb7: {  	_ =	strace $0x90000048  }
0xb8: {  	_ =	sfence  }
0xb9: {  	s30 =	sld [smem:$0x0];
	_ =	sdelay $0x2  }
0xba: {  	s31 =	sshll.u32 s1, $0xD;
	s1 =	sshrl.u32 s1, $0x2  }
0xbb: {  	s3 =	sand.u32 $0x4000, s31;
	s1 =	sadd.s32 s1, s30  }
0xbc: {  	s0 =	sor.u32 s3, s0;
	s1 =	sshll.u32 s1, $0x11  }
0xbd: {  	s0 =	sor.u32 s1, s0  }
0xbe: {  	s0 =	sadd.s32 $0x8F2B, s0  }
0xbf: {  	[sflag:s0] =	ssyncadd.remote.s32 $0x1  }
0xc0: {  	_ =	sfence.sel $0xFFFF  }
0xc1: {  	[dreg:$0x0] =	wrdreg $0xFFFFFFFF;
	(pc) =	sbr.abs _section_cstart, $3  }
0xc2: {  	[dreg:$0x1] =	wrdreg $0xFFFFFFFF  }
0xc3: {  	_ =	task.clear_ibuf [dreg:s8], $0x2FFFF;
	_ =	strace $0x9FFFFFFF  }
0xc4: {  	(tm) =	ssettm $0x7FFFFFFF  }
0xc5: {  	_ =	shalt  }
tec
execute0_lowered:
.L_overlay_start_1:
0x0: {  	(tag) =	ssettag $0x1  }
0x1: {  	s0 =	rddreg [dreg:$0x0]  }
0x2: {  	s1 =	rddreg [dreg:$0x1]  }
0x3: {  	s6 =	rddreg [dreg:$0x2];
	s4 =	srdreg.scid  }
0x4: {  	s3 =	simm.s32 $0x0;
	s2 =	stileid.u32;
	s9 =	simm.s32 $0x2  }
0x5: {  	s10 =	simm.s32 $0x80;
	s11 =	simm.s32 $0x400;
	s12 =	simm.s32 $0x480  }
0x6: {  	s13 =	simm.s32 $0x100;
	s14 =	simm.s32 $0x500;
	s15 =	simm.s32 $0x180  }
0x7: {  	s16 =	simm.s32 $0x580;
	s17 =	simm.s32 $0x600;
	s18 =	simm.s32 $0x280  }
0x8: {  	s19 =	simm.s32 $0x680;
	s20 =	simm.s32 $0x300;
	s21 =	simm.s32 $0x700  }
0x9: {  	s22 =	simm.s32 $0x380;
	s23 =	simm.s32 $0x780;
	s24 =	simm.s32 $0x1  }
0xa: {  	s25 =	simm.s32 $0x800;
	s26 =	simm.s32 $0x3;
	s4 =	sand.u32 $0x1, s4  }
0xb: {  	s28 =	simm.s32 $0x0;
	s5 =	sshll.u32 s2, $0x7;
	s7 =	sshll.u32 s4, $0x6  }
0xc: {  	[smem:$0x7FF] =	sst s3;
	s4 =	ssub.s32 $0x2, s4;
	s7 =	sor.u32 s7, s5  }
0xd: {  	_ =	strace $0x80000047;
	s31 =	sshrl.u32 s4, $0x1;
	s0 =	sadd.s32 s7, s0  }
0xe: {  	s8 =	ssub.s32 s4, s31;
	s6 =	sadd.s32 s6, s7;
	s4 =	sadd.s32 $0x400, s0  }
0xf: {  	s5 =	sadd.s32 $0xC00, s0;
	s7 =	smax.u32 s8, $0x1;
	s8 =	simm.s32 $0x200  }
.LBB2_1:
0x10: {  	[tilespmem:s3], [sflag:$0x2] =	stream.linear.gather [hbm4b:s4+s3], $0x200, $0x38;
	[tilespmem:$0xA00] =	vst v63  }
0x11: {  	_ = 	snop  }
0x12: {  	[tilespmem:s8], [sflag:$0x2] =	stream.linear.gather [hbm4b:s5+s3], $0x200, $0x38;
	[tilespmem:$0xA00] =	vst v63  }
0x13: {  	_ =	swait.ge [sflag:s9], $0x200  }
0x14: {  	[sflag:s9] =	ssyncset.done $0x0  }
0x15: {  	[sflag:s9] =	ssyncadd.s32 $0xFFFFFE00  }
0x16: {  	[tilespmem:s11], [sflag:$0x1] =	stream.indirect.gather [hbm4b:s1+s10], $0x1, s3, s10, $0xb8;
	[tilespmem:$0xA00] =	vst v63  }
0x17: {  	_ = 	snop  }
0x18: {  	[tilespmem:s12], [sflag:$0x1] =	stream.indirect.gather [hbm4b:s1+s10], $0x1, s10, s10, $0xb8;
	[tilespmem:$0xA00] =	vst v63  }
0x19: {  	_ = 	snop  }
0x1a: {  	[tilespmem:s14], [sflag:$0x1] =	stream.indirect.gather [hbm4b:s1+s10], $0x1, s13, s10, $0xb8;
	[tilespmem:$0xA00] =	vst v63  }
0x1b: {  	_ = 	snop  }
0x1c: {  	[tilespmem:s16], [sflag:$0x1] =	stream.indirect.gather [hbm4b:s1+s10], $0x1, s15, s10, $0xb8;
	[tilespmem:$0xA00] =	vst v63  }
0x1d: {  	_ =	swait.ge [sflag:s9], $0x200  }
0x1e: {  	[sflag:s9] =	ssyncset.done $0x0  }
0x1f: {  	[sflag:s9] =	ssyncadd.s32 $0xFFFFFE00  }
0x20: {  	[tilespmem:s17], [sflag:$0x1] =	stream.indirect.gather [hbm4b:s1+s10], $0x1, s8, s10, $0xb8;
	[tilespmem:$0xA00] =	vst v63  }
0x21: {  	_ = 	snop  }
0x22: {  	[tilespmem:s19], [sflag:$0x1] =	stream.indirect.gather [hbm4b:s1+s10], $0x1, s18, s10, $0xb8;
	[tilespmem:$0xA00] =	vst v63  }
0x23: {  	_ = 	snop  }
0x24: {  	[tilespmem:s21], [sflag:$0x1] =	stream.indirect.gather [hbm4b:s1+s10], $0x1, s20, s10, $0xb8;
	[tilespmem:$0xA00] =	vst v63  }
0x25: {  	_ = 	snop  }
0x26: {  	[tilespmem:s23], [sflag:$0x1] =	stream.indirect.gather [hbm4b:s1+s10], $0x1, s22, s10, $0xb8;
	[tilespmem:$0xA00] =	vst v63  }
0x27: {  	_ =	swait.ge [sflag:s24], $0x80  }
0x28: {  	[sflag:s24] =	ssyncset.done $0x0  }
0x29: {  	[sflag:s24] =	ssyncadd.s32 $0xFFFFFF80  }
0x2a: {  	_ =	swait.ge [sflag:s24], $0x80  }
0x2b: {  	[sflag:s24] =	ssyncset.done $0x0  }
0x2c: {  	[sflag:s24] =	ssyncadd.s32 $0xFFFFFF80  }
0x2d: {  	_ =	swait.ge [sflag:s24], $0x80  }
0x2e: {  	[sflag:s24] =	ssyncset.done $0x0  }
0x2f: {  	[sflag:s24] =	ssyncadd.s32 $0xFFFFFF80  }
0x30: {  	_ =	swait.ge [sflag:s24], $0x80  }
0x31: {  	[sflag:s24] =	ssyncset.done $0x0  }
0x32: {  	[sflag:s24] =	ssyncadd.s32 $0xFFFFFF80  }
0x33: {  	_ =	swait.ge [sflag:s24], $0x80  }
0x34: {  	[sflag:s24] =	ssyncset.done $0x0  }
0x35: {  	[sflag:s24] =	ssyncadd.s32 $0xFFFFFF80  }
0x36: {  	_ =	swait.ge [sflag:s24], $0x80  }
0x37: {  	[sflag:s24] =	ssyncset.done $0x0  }
0x38: {  	[sflag:s24] =	ssyncadd.s32 $0xFFFFFF80  }
0x39: {  	_ =	swait.ge [sflag:s24], $0x80  }
0x3a: {  	[sflag:s24] =	ssyncset.done $0x0  }
0x3b: {  	[sflag:s24] =	ssyncadd.s32 $0xFFFFFF80  }
0x3c: {  	_ =	swait.ge [sflag:s24], $0x80  }
0x3d: {  	[sflag:s24] =	ssyncset.done $0x0  }
0x3e: {  	s0 =	simm.s32 $0x420;
	[sflag:s24] =	ssyncadd.s32 $0xFFFFFF80  }
0x3f: {  	s29 =	simm.s32 $0x620;
	v0 =	vld [tilespmem:s0+$0x10]  }
0x40: {  	v1 =	vld [tilespmem:s29+$0x10]  }
0x41: {  	v2 =	vld [tilespmem:s0+$0xFFFFFFF0]  }
0x42: {  	v3 =	vld [tilespmem:s29+$0xFFFFFFF0]  }
0x43: {  	v4 =	vld [tilespmem:s0+$0x0]  }
0x44: {  	v5 =	vld [tilespmem:s29+$0x0]  }
0x45: {  	v6 =	vld [tilespmem:s0+$0xFFFFFFE0];
	s0 =	simm.s32 $0x460  }
0x46: {  	v7 =	vld [tilespmem:s0+$0x10];
	v0 =	vsub.f32 v1, v0  }
0x47: {  	v1 =	vld [tilespmem:s29+$0xFFFFFFE0];
	s29 =	simm.s32 $0x660  }
0x48: {  	v2 =	vsub.f32 v3, v2;
	v3 =	vld [tilespmem:s29+$0x10];
	v0 =	vmul.f32 $5.756462920e-03, v0;
	_ =	sdelay $0x1  }
0x49: {  	v0 =	vmul.f32 $1.442695020e+00, v0  }
0x4a: {  	v4 =	vsub.f32 v5, v4;
	v5 =	vld [tilespmem:s0+$0xFFFFFFF0];
	v2 =	vmul.f32 $5.756462920e-03, v2  }
0x4b: {  	v1 =	vsub.f32 v1, v6;
	(erf) = vpow2.f32 v0;
	v0 =	vld [tilespmem:s29+$0xFFFFFFF0]  }
0x4c: {  	v9 =	vld [tilespmem:s29+$0x0];
	v2 =	vmul.f32 $1.442695020e+00, v2;
	v3 =	vsub.f32 v3, v7  }
0x4d: {  	v4 =	vmul.f32 $5.756462920e-03, v4;
	v6 =	vld [tilespmem:s0+$0x0];
	v1 =	vmul.f32 $5.756462920e-03, v1  }
0x4e: {  	v8 =	vld [tilespmem:s29+$0xFFFFFFE0];
	(erf) = vpow2.f32 v2;
	v2 =	vmul.f32 $5.756462920e-03, v3  }
0x4f: {  	v4 =	vmul.f32 $1.442695020e+00, v4;
	v7 =	vld [tilespmem:s0+$0xFFFFFFE0];
	s0 =	simm.s32 $0x4A0  }
0x50: {  	s29 =	simm.s32 $0x6A0;
	v3 =	vld [tilespmem:s0+$0x10];
	v1 =	vmul.f32 $1.442695020e+00, v1;
	v2 =	vmul.f32 $1.442695020e+00, v2;
	v0 =	vsub.f32 v0, v5  }
0x51: {  	(erf) = vpow2.f32 v4;
	v4 =	vld [tilespmem:s29+$0x10]  }
0x52: {  	(erf) = vpow2.f32 v1;
	v5 =	vsub.f32 v9, v6;
	v0 =	vmul.f32 $5.756462920e-03, v0  }
0x53: {  	v10 =	vld [tilespmem:s29+$0x0];
	(erf) = vpow2.f32 v2  }
0x54: {  	v6 =	vld [tilespmem:s0+$0xFFFFFFF0];
	v5 =	vmul.f32 $5.756462920e-03, v5;
	v2 =	vpop (erf);
	v0 =	vmul.f32 $1.442695020e+00, v0  }
0x55: {  	v7 =	vsub.f32 v8, v7;
	v8 =	vld [tilespmem:s29+$0xFFFFFFF0];
	v2 =	vadd.f32 $1.000000000e+00, v2  }
0x56: {  	v1 =	vld [tilespmem:s29+$0xFFFFFFE0];
	v3 =	vsub.f32 v4, v3;
	v4 =	vmul.f32 $1.442695020e+00, v5  }
0x57: {  	v9 =	vld [tilespmem:s0+$0x0];
	v7 =	vmul.f32 $5.756462920e-03, v7;
	(erf) = vrcp.f32 v2  }
0x58: {  	v3 =	vmul.f32 $5.756462920e-03, v3;
	v2 =	vld [tilespmem:s0+$0xFFFFFFE0];
	(erf) = vpow2.f32 v0;
	v0 =	vpop (erf)  }
0x59: {  	v5 =	vmul.f32 $1.442695020e+00, v7;
	v0 =	vadd.f32 $1.000000000e+00, v0  }
0x5a: {  	s30 =	simm.s32 $0x6E0;
	v6 =	vsub.f32 v8, v6;
	v3 =	vmul.f32 $1.442695020e+00, v3;
	(erf) = vpow2.f32 v4;
	v4 =	vpop (erf)  }
0x5b: {  	v8 =	vld [tilespmem:s30+$0x10];
	s0 =	simm.s32 $0x4E0;
	(erf) = vpow2.f32 v5;
	v4 =	vadd.f32 $1.000000000e+00, v4  }
0x5c: {  	v7 =	vld [tilespmem:s0+$0x10];
	v5 =	vmul.f32 $5.756462920e-03, v6;
	(erf) = vrcp.f32 v0  }
0x5d: {  	v6 =	vsub.f32 v10, v9;
	(erf) = vrcp.f32 v4;
	v1 =	vsub.f32 v1, v2;
	v2 =	vld [tilespmem:s0+$0xFFFFFFF0];
	v0 =	vpop (erf)  }
0x5e: {  	v9 =	vmul.f32 $1.442695020e+00, v5;
	v5 =	vld [tilespmem:s30+$0xFFFFFFF0];
	(erf) = vpow2.f32 v3;
	v4 =	vadd.f32 $1.000000000e+00, v0;
	v3 =	vpop (erf)  }
0x5f: {  	v6 =	vmul.f32 $5.756462920e-03, v6;
	v0 =	vld [tilespmem:s30+$0xFFFFFFE0];
	v3 =	vadd.f32 $1.000000000e+00, v3  }
0x60: {  	v10 =	vmul.f32 $5.756462920e-03, v1;
	v1 =	vld [tilespmem:s0+$0x0];
	(erf) = vrcp.f32 v4  }
0x61: {  	v7 =	vsub.f32 v8, v7;
	v8 =	vmul.f32 $1.442695020e+00, v6;
	v11 =	vpop (erf);
	(erf) = vrcp.f32 v3;
	v3 =	vld [tilespmem:s30+$0x0]  }
0x62: {  	s29 =	simm.s32 $0x820;
	v6 =	vmul.f32 $1.442695020e+00, v10;
	v4 =	vld [tilespmem:s0+$0xFFFFFFE0];
	(erf) = vpow2.f32 v9;
	v9 =	vpop (erf)  }
0x63: {  	s31 =	simm.s32 $0xC0;
	v7 =	vmul.f32 $5.756462920e-03, v7;
	s0 =	simm.s32 $0x520;
	[tilespmem:s29+$0x10] =	vst v11;
	(erf) = vpow2.f32 v8;
	v8 =	vadd.f32 $1.000000000e+00, v9;
	v9 =	vpop (erf)  }
.LBB2_2:
0x64: {  	v10 =	vld [tilespmem:s0+$0x10];
	v2 =	vsub.f32 v5, v2;
	s30 =	sadd.s32 $0x40, s30;
	(erf) = vpow2.f32 v6;
	v5 =	vadd.f32 $1.000000000e+00, v9;
	v6 =	vpop (erf)  }
0x65: {  	s31 =	sadd.s32 $0x40, s31;
	v9 =	vld [tilespmem:s30+$0x10];
	v7 =	vmul.f32 $1.442695020e+00, v7;
	v6 =	vadd.f32 $1.000000000e+00, v6;
	(erf) = vrcp.f32 v8;
	v8 =	vpop (erf)  }
0x66: {  	p0 =	slt.u32 s31, $0x1C0;
	v11 =	vld [tilespmem:s30+$0xFFFFFFE0];
	v12 =	vmul.f32 $5.756462920e-03, v2;
	v1 =	vsub.f32 v3, v1;
	(erf) = vrcp.f32 v5;
	[tilespmem:s29+$0xFFFFFFF0] =	vst v8;
	v3 =	vpop (erf)  }
0x67: {  	v2 =	vld [tilespmem:s0+$0xFFFFFFF0];
	v0 =	vsub.f32 v0, v4;
	(erf) = vpow2.f32 v7;
	v4 =	vpop (erf);
	[tilespmem:s29+$0x0] =	vst v3  }
.Ltmp0:
0x68: {  	v5 =	vld [tilespmem:s30+$0xFFFFFFF0];
	v7 =	vmul.f32 $1.442695020e+00, v12;
	v8 =	vmul.f32 $5.756462920e-03, v1;
	v4 =	vadd.f32 $1.000000000e+00, v4;
	(pc) =	sbr.rel @p0 .LBB2_2-.Ltmp0, $4  }
0x69: {  	v1 =	vld [tilespmem:s0+$0x0];
	v13 =	vmul.f32 $5.756462920e-03, v0;
	(erf) = vrcp.f32 v6;
	v6 =	vpop (erf)  }
0x6a: {  	v3 =	vld [tilespmem:s30+$0x0];
	v14 =	vsub.f32 v9, v10;
	v8 =	vmul.f32 $1.442695020e+00, v8;
	(erf) = vrcp.f32 v4;
	v10 =	vpop (erf);
	[tilespmem:s29+$0xFFFFFFE0] =	vst v6;
	s29 =	sadd.s32 $0x40, s29  }
0x6b: {  	v4 =	vld [tilespmem:s0+$0xFFFFFFE0];
	v6 =	vmul.f32 $1.442695020e+00, v13;
	(erf) = vpow2.f32 v7;
	v12 =	vpop (erf);
	[tilespmem:s29+$0x10] =	vst v10;
	v0 =	vmov v11  }
0x6c: {  	s0 =	sadd.s32 $0x40, s0;
	v7 =	vmul.f32 $5.756462920e-03, v14;
	(erf) = vpow2.f32 v8;
	v8 =	vadd.f32 $1.000000000e+00, v12;
	v9 =	vpop (erf)  }
0x6d: {  	v2 =	vsub.f32 v5, v2;
	(erf) = vpow2.f32 v6;
	v36 =	vadd.f32 $1.000000000e+00, v9;
	v37 =	vpop (erf)  }
0x6e: {  	v7 =	vmul.f32 $1.442695020e+00, v7;
	(erf) = vrcp.f32 v8;
	v38 =	vpop (erf)  }
0x6f: {  	v2 =	vmul.f32 $5.756462920e-03, v2;
	v1 =	vsub.f32 v3, v1;
	(erf) = vrcp.f32 v36;
	v39 =	vpop (erf)  }
0x70: {  	v40 =	vadd.f32 $1.000000000e+00, v37;
	v0 =	vsub.f32 v0, v4;
	(erf) = vpow2.f32 v7;
	v41 =	vpop (erf)  }
0x71: {  	v2 =	vmul.f32 $1.442695020e+00, v2;
	v1 =	vmul.f32 $5.756462920e-03, v1;
	v4 =	vadd.f32 $1.000000000e+00, v41  }
0x72: {  	(erf) = vrcp.f32 v40;
	v0 =	vmul.f32 $5.756462920e-03, v0  }
0x73: {  	v42 =	vpop (erf);
	v1 =	vmul.f32 $1.442695020e+00, v1;
	(erf) = vrcp.f32 v4  }
0x74: {  	v43 =	vpop (erf);
	v0 =	vmul.f32 $1.442695020e+00, v0;
	(erf) = vpow2.f32 v2  }
0x75: {  	v44 =	vpop (erf);
	(erf) = vpow2.f32 v1  }
0x76: {  	v45 =	vpop (erf);
	(erf) = vpow2.f32 v0  }
0x77: {  	v46 =	vpop (erf)  }
0x78: {  	v47 =	vpop (erf)  }
0x79: {  	v48 =	vpop (erf)  }
0x7a: {  	v2 =	vadd.f32 $1.000000000e+00, v44;
	v49 =	vpop (erf)  }
0x7b: {  	v1 =	vadd.f32 $1.000000000e+00, v45;
	v10 =	vpop (erf)  }
0x7c: {  	v0 =	vadd.f32 $1.000000000e+00, v46;
	(erf) = vrcp.f32 v2;
	v50 =	vpop (erf)  }
0x7d: {  	(erf) = vrcp.f32 v1;
	v51 =	vadd.f32 $1.000000000e+00, v49;
	v52 =	vpop (erf)  }
0x7e: {  	[tilespmem:s29+$0xFFFFFFF0] =	vst v38;
	(erf) = vrcp.f32 v0;
	v53 =	vadd.f32 $1.000000000e+00, v52;
	v54 =	vpop (erf)  }
0x7f: {  	[tilespmem:s29+$0x0] =	vst v39;
	(erf) = vrcp.f32 v51;
	v55 =	vadd.f32 $1.000000000e+00, v54;
	v56 =	vpop (erf)  }
0x80: {  	s0 =	sadd.s32 $0x40, s29;
	[tilespmem:s29+$0xFFFFFFE0] =	vst v42;
	v3 =	vadd.f32 $1.000000000e+00, v56;
	(erf) = vrcp.f32 v53  }
0x81: {  	[tilespmem:s0+$0x10] =	vst v43;
	(erf) = vrcp.f32 v55  }
0x82: {  	[tilespmem:s0+$0xFFFFFFF0] =	vst v47;
	(erf) = vrcp.f32 v3  }
0x83: {  	[tilespmem:s0+$0x0] =	vst v48  }
0x84: {  	[tilespmem:s0+$0xFFFFFFE0] =	vst v10;
	s0 =	sadd.s32 $0x40, s0  }
0x85: {  	[tilespmem:s0+$0x10] =	vst v50;
	v57 =	vpop (erf)  }
0x86: {  	[tilespmem:s0+$0xFFFFFFF0] =	vst v57;
	v58 =	vpop (erf)  }
0x87: {  	[tilespmem:s0+$0x0] =	vst v58;
	v59 =	vpop (erf)  }
0x88: {  	[tilespmem:s0+$0xFFFFFFE0] =	vst v59;
	s0 =	sadd.s32 $0x40, s0;
	v60 =	vpop (erf)  }
0x89: {  	[tilespmem:s0+$0x10] =	vst v60;
	v61 =	vpop (erf)  }
0x8a: {  	s28 =	sadd.s32 $0x1, s28;
	[tilespmem:s0+$0xFFFFFFF0] =	vst v61;
	v62 =	vpop (erf)  }
0x8b: {  	p0 =	sne.s32 s28, s7;
	[tilespmem:s0+$0x0] =	vst v62;
	v63 =	vpop (erf)  }
.Ltmp1:
0x8c: {  	[tilespmem:s0+$0xFFFFFFE0] =	vst v63;
	(pc) =	sbr.rel @p0 .LBB2_1-.Ltmp1, $4  }
0x8d: {  	[hbm4b:s6+s3] =	stream.linear.scatter [tilespmem:s25], [sflag:$0x3], $0x200, $0x38;
	[tilespmem:$0xA00] =	vst v63  }
0x8e: {  	_ =	swait.ge [sflag:s26], $0x200  }
0x8f: {  	[sflag:s26] =	ssyncset.done $0x0  }
0x90: {  	[sflag:s26] =	ssyncadd.s32 $0xFFFFFE00  }
0x91: {  	_ =	sfence.sel $0x180000  }
0x92: {  	[bflag:$0x0] =	sbarrier.arrive $0xFFFF  }
0x93: {  	_ =	strace $0x90000047  }
0x94: {  	[bflag:$0x2] =	sbarrier.arrive $0xFFFF  }
0x95: {  	p0 =	sne.s32 s2, $0x0;
	s0 =	rddreg [dreg:$0x3]  }
0x96: {  	s0 =	sadd.s32 @!p0 $0x100000, s0  }
0x97: {  	[sflag:s0] =	ssyncadd.tile.s32 @!p0 $0x1;
	_ =	shalt  }
.Lfunc_end2:
_tile_overlayer_lowered:
.L_overlay_start_2:
0x98: {  	(tag) =	ssettag $0x2  }
0x99: {  	s0 =	rddreg [dreg:$0x0];
	s2 =	stileid.u32  }
0x9a: {  	s1 =	rddreg [dreg:$0x1];
	p0 =	sne.s32 s2, $0x0  }
0x9b: {  	s3 =	rddreg [dreg:$0x2];
	[bflag:$0x3] =	sbarrier.arrive $0xFFFF;
	s2 =	simm.s32 @!p0 $0x1C03  }
0x9c: {  	[timem:s3], [sflag:s2] =	dma.local @!p0 [hbm:s0], s1  }
0x9d: {  	s0 =	simm.s32 @!p0 $0x3  }
0x9e: {  	_ =	swait.ge @!p0 [sflag:s0], s1  }
0x9f: {  	s1 =	ssub.s32 @!p0 $0x0, s1;
	[sflag:s0] =	ssyncset.done @!p0 $0x0  }
0xa0: {  	[sflag:s0] =	ssyncadd.s32 @!p0 s1  }
0xa1: {  	[bflag:$0x3] =	sbarrier.arrive $0xFFFF  }
0xa2: {  	_ =	shalt  }

</sc_bundles>
